<compile_context>
chip_gen: v7x
topology: tpu7x:2x2x1
jax: 0.10.2.dev20260603
libtpu: 0.0.44.dev20260713+nightly
codegen_flags: <defaults>
</compile_context>

<pallas_src>
import functools

import jax
import jax.numpy as jnp
from jax import lax
from jax.experimental import pallas as pl
from jax.experimental.pallas import tpu as pltpu
from jax.experimental.pallas import tpu_sc as plsc

B = 16384
GD = 2
AD = 4
D = GD + AD
DP = 8
VOCAB = 1000
VP = 1024
TL = 128
L = 16

_info = plsc.get_sparse_core_info()
NC, NS = 1, _info.num_subcores
NW = NC * NS
BPW = B // NW
TPW = BPW // TL
NGROUP = BPW // L

TOK_W = 2 * TL
OUT_W = DP * TL
TAB_W = DP * TL


def _body(tok_hbm, tab_hbm, out_hbm, tok_v, tab_v, out_v, sem):
    wid = lax.axis_index("s") * NC + lax.axis_index("c")
    c1 = pltpu.async_copy(
        tok_hbm.at[pl.ds(wid * (TPW * TOK_W), TPW * TOK_W)], tok_v, sem)
    c2 = pltpu.async_copy(tab_hbm, tab_v, sem)
    c1.wait()
    c2.wait()

    @pl.loop(0, NGROUP, unroll=2)
    def _group(g):
        t = g >> 3
        r = (g & 7) << 4
        toff = t * TOK_W + r
        ooff = t * OUT_W + r
        gidx = tok_v[pl.ds(toff, L)]
        aidx = tok_v[pl.ds(toff + TL, L)]
        gbase = (gidx >> 7) * TAB_W + (gidx & (TL - 1))
        abase = (aidx >> 7) * TAB_W + (aidx & (TL - 1))
        for c in range(GD):
            v = plsc.load_gather(tab_v, [gbase + (c * TL)])
            out_v[pl.ds(ooff + c * TL, L)] = v
        for c in range(AD):
            v = plsc.load_gather(tab_v, [abase + ((GD + c) * TL)])
            out_v[pl.ds(ooff + (GD + c) * TL, L)] = v

    pltpu.sync_copy(out_v, out_hbm.at[pl.ds(wid * (TPW * OUT_W), TPW * OUT_W)])


_ctx_embed = functools.partial(
    pl.kernel,
    mesh=plsc.VectorSubcoreMesh(core_axis_name="c", subcore_axis_name="s", num_cores=1),
    out_type=jax.ShapeDtypeStruct((B // TL * OUT_W,), jnp.float32),
    scratch_types=[
        pltpu.VMEM((TPW * TOK_W,), jnp.int32),
        pltpu.VMEM((VP // TL * TAB_W,), jnp.float32),
        pltpu.VMEM((TPW * OUT_W,), jnp.float32),
        pltpu.SemaphoreType.DMA,
    ],
    compiler_params=pltpu.CompilerParams(needs_layout_passes=False),
)(_body)


def _tiled_flat(x, rows, cols):
    return x.reshape(rows // TL, TL, cols).transpose(0, 2, 1).reshape(-1)


@jax.jit
def kernel(context_tokens, age_table, gender_table):
    tok = _tiled_flat(context_tokens.astype(jnp.int32), B, 2)
    tab = jnp.zeros((VP, DP), jnp.float32)
    tab = lax.dynamic_update_slice(
        tab, jnp.concatenate([gender_table, age_table], axis=1), (0, 0))
    flat = _ctx_embed(tok, _tiled_flat(tab, VP, DP))
    return (
        flat.reshape(B // TL, DP, TL)
        .transpose(0, 2, 1)
        .reshape(B, DP)[:, :D]
    )

# --- scband reference (transcript-rebuilt; emitter-appended) ---
"""Pipeline reference for scband-context-embedding-9328668967779 (READ-ONLY COPY).

The authoritative reference and input builder live on the scoring server;
editing this copy changes nothing except your own understanding.
"""

import jax, jax.numpy as jnp
import numpy as np

def setup_inputs(seed: int = 0) -> dict:
    key = jax.random.key(seed)
    k1, k2, k3 = jax.random.split(key, 3)
    context_tokens = jax.random.randint(k1, (16384, 2), 0, 1000, dtype=jnp.int64)
    # Learned parameters sized per init_kwargs: age_emb: (vocab0, 4), gender_emb: (vocab1, 2)
    age_table = jax.random.normal(k2, (1000, 4), dtype=jnp.float32)
    gender_table = jax.random.normal(k3, (1000, 2), dtype=jnp.float32)
    return {"context_tokens": context_tokens, "age_table": age_table, "gender_table": gender_table}

def reference(context_tokens, age_table, gender_table):
    # gender_vec = gender_emb(context_tokens[:, 0])
    gender_vec = jnp.take(gender_table, context_tokens[:, 0], axis=0)
    # age_vec = age_emb(context_tokens[:, 1])
    age_vec = jnp.take(age_table, context_tokens[:, 1], axis=0)
    ctx_emb = jnp.concatenate([gender_vec, age_vec], axis=-1)
    return ctx_emb

if __name__ == "__main__":
    import jax
    _d = setup_inputs()
    print(jax.jit(kernel)(*tuple(_d.values())))

</pallas_src>

<mosaic_0001>
#map = affine_map<(d0, d1) -> (0)>
module attributes {stable_mosaic.version = 14 : i64} {
  func.func @_body(%arg0: i32, %arg1: i32, %arg2: memref<32768xi32, #tpu.memory_space<hbm>>, %arg3: memref<8192xf32, #tpu.memory_space<hbm>>, %arg4: memref<131072xf32, #tpu.memory_space<hbm>>, %arg5: memref<2048xi32, #tpu.memory_space<vmem>>, %arg6: memref<8192xf32, #tpu.memory_space<vmem>>, %arg7: memref<8192xf32, #tpu.memory_space<vmem>>, %arg8: memref<!tpu.dma_semaphore, #tpu.memory_space<semaphore_mem>>) attributes {dimension_semantics = [#tpu.dimension_semantics<core_parallel>, #tpu.dimension_semantics<subcore_parallel>], iteration_bounds = array<i64: 1, 16>, scalar_prefetch = 0 : i64, scratch_operands = 4 : i64, tpu.core_type = #tpu.core_type<sc_vector_subcore>, window_params = [{transform_indices = #map}, {transform_indices = #map}, {transform_indices = #map}]} {
    %mul3A = arith.constant 1 : i32
    %mul3A_0 = arith.muli %arg1, %mul3A : i32
    %add3A = arith.addi %mul3A_0, %arg0 : i32
    %mul3A_1 = arith.constant 2048 : i32
    %mul3A_2 = arith.muli %add3A, %mul3A_1 : i32
    %dma_start3A = tpu.memref_slice %arg2[%mul3A_2] : memref<32768xi32, #tpu.memory_space<hbm>> -> memref<2048xi32, #tpu.memory_space<hbm>>
    %dma_start3A_3 = tpu.memref_slice %arg2[%mul3A_2] : memref<32768xi32, #tpu.memory_space<hbm>> -> memref<2048xi32, #tpu.memory_space<hbm>>
    tpu.enqueue_dma source(%dma_start3A_3 : memref<2048xi32, #tpu.memory_space<hbm>>) target(%arg5 : memref<2048xi32, #tpu.memory_space<vmem>>) target_semaphore(%arg8 : memref<!tpu.dma_semaphore, #tpu.memory_space<semaphore_mem>>)
    tpu.enqueue_dma source(%arg3 : memref<8192xf32, #tpu.memory_space<hbm>>) target(%arg6 : memref<8192xf32, #tpu.memory_space<vmem>>) target_semaphore(%arg8 : memref<!tpu.dma_semaphore, #tpu.memory_space<semaphore_mem>>)
    %dma_wait3A = tpu.memref_slice %arg2[%mul3A_2] : memref<32768xi32, #tpu.memory_space<hbm>> -> memref<2048xi32, #tpu.memory_space<hbm>>
    %dma_wait3A_4 = tpu.memref_slice %arg2[%mul3A_2] : memref<32768xi32, #tpu.memory_space<hbm>> -> memref<2048xi32, #tpu.memory_space<hbm>>
    tpu.wait_dma2 semaphore(%arg8 : memref<!tpu.dma_semaphore, #tpu.memory_space<semaphore_mem>>) src(%dma_wait3A_4 : memref<2048xi32, #tpu.memory_space<hbm>>) dst(%arg5 : memref<2048xi32, #tpu.memory_space<vmem>>)
    tpu.wait_dma2 semaphore(%arg8 : memref<!tpu.dma_semaphore, #tpu.memory_space<semaphore_mem>>) src(%arg3 : memref<8192xf32, #tpu.memory_space<hbm>>) dst(%arg6 : memref<8192xf32, #tpu.memory_space<vmem>>)
    %scan3A = arith.constant 0 : i32
    %scan3A_5 = arith.constant 64 : i32
    %scan3A_6 = arith.addi %scan3A, %scan3A_5 : i32
    %scan3A_7 = arith.constant 2 : i32
    scf.for %scan3A_11 = %scan3A to %scan3A_6 step %scan3A_7  : i32 {
      %mul3A_12 = arith.constant 1 : i32
      %mul3A_13 = arith.muli %scan3A_11, %mul3A_12 : i32
      %add3A_14 = arith.constant 0 : i32
      %add3A_15 = arith.addi %add3A_14, %mul3A_13 : i32
      %shift_right_arithmetic3A = arith.constant 3 : i32
      %shift_right_arithmetic3A_16 = arith.shrsi %add3A_15, %shift_right_arithmetic3A : i32
      %and3A = arith.constant 7 : i32
      %and3A_17 = arith.andi %add3A_15, %and3A : i32
      %shift_left3A = arith.constant 4 : i32
      %shift_left3A_18 = arith.shli %and3A_17, %shift_left3A : i32
      %mul3A_19 = arith.constant 256 : i32
      %mul3A_20 = arith.muli %shift_right_arithmetic3A_16, %mul3A_19 : i32
      %add3A_21 = arith.addi %mul3A_20, %shift_left3A_18 : i32
      %mul3A_22 = arith.constant 1024 : i32
      %mul3A_23 = arith.muli %shift_right_arithmetic3A_16, %mul3A_22 : i32
      %add3A_24 = arith.addi %mul3A_23, %shift_left3A_18 : i32
      %get3A = arith.index_cast %add3A_21 : i32 to index
      %get3A_25 = tpu.vector_load %arg5[%get3A] {strides = array<i32>} : memref<2048xi32, #tpu.memory_space<vmem>>, vector<16xi32>,
      %add3A_26 = arith.constant 128 : i32
      %add3A_27 = arith.addi %add3A_21, %add3A_26 : i32
      %get3A_28 = arith.index_cast %add3A_27 : i32 to index
      %get3A_29 = tpu.vector_load %arg5[%get3A_28] {strides = array<i32>} : memref<2048xi32, #tpu.memory_space<vmem>>, vector<16xi32>,
      %shift_right_arithmetic3A_30 = arith.constant 7 : i32
      %shift_right_arithmetic3A_31 = vector.broadcast %shift_right_arithmetic3A_30 : i32 to vector<16xi32>
      %shift_right_arithmetic3A_32 = arith.shrsi %get3A_25, %shift_right_arithmetic3A_31 : vector<16xi32>
      %mul3A_33 = arith.constant 1024 : i32
      %mul3A_34 = vector.broadcast %mul3A_33 : i32 to vector<16xi32>
      %mul3A_35 = arith.muli %shift_right_arithmetic3A_32, %mul3A_34 : vector<16xi32>
      %and3A_36 = arith.constant 127 : i32
      %and3A_37 = vector.broadcast %and3A_36 : i32 to vector<16xi32>
      %and3A_38 = arith.andi %get3A_25, %and3A_37 : vector<16xi32>
      %add3A_39 = arith.addi %mul3A_35, %and3A_38 : vector<16xi32>
      %shift_right_arithmetic3A_40 = arith.constant 7 : i32
      %shift_right_arithmetic3A_41 = vector.broadcast %shift_right_arithmetic3A_40 : i32 to vector<16xi32>
      %shift_right_arithmetic3A_42 = arith.shrsi %get3A_29, %shift_right_arithmetic3A_41 : vector<16xi32>
      %mul3A_43 = arith.constant 1024 : i32
      %mul3A_44 = vector.broadcast %mul3A_43 : i32 to vector<16xi32>
      %mul3A_45 = arith.muli %shift_right_arithmetic3A_42, %mul3A_44 : vector<16xi32>
      %and3A_46 = arith.constant 127 : i32
      %and3A_47 = vector.broadcast %and3A_46 : i32 to vector<16xi32>
      %and3A_48 = arith.andi %get3A_29, %and3A_47 : vector<16xi32>
      %add3A_49 = arith.addi %mul3A_45, %and3A_48 : vector<16xi32>
      %add3A_50 = arith.constant 0 : i32
      %add3A_51 = vector.broadcast %add3A_50 : i32 to vector<16xi32>
      %add3A_52 = arith.addi %add3A_39, %add3A_51 : vector<16xi32>
      %gather3A = tpu.vector_load_idx %arg6[%add3A_52] : memref<8192xf32, #tpu.memory_space<vmem>>[vector<16xi32>], vector<16xf32>,
      %add3A_53 = arith.constant 0 : i32
      %add3A_54 = arith.addi %add3A_24, %add3A_53 : i32
      %swap3A = arith.index_cast %add3A_54 : i32 to index
      %swap3A_55 = tpu.vector_load %arg7[%swap3A] {strides = array<i32>} : memref<8192xf32, #tpu.memory_space<vmem>>, vector<16xf32>,
      tpu.vector_store %arg7[%swap3A], %gather3A {strides = array<i32>} : memref<8192xf32, #tpu.memory_space<vmem>>, vector<16xf32>,
      %add3A_56 = arith.constant 128 : i32
      %add3A_57 = vector.broadcast %add3A_56 : i32 to vector<16xi32>
      %add3A_58 = arith.addi %add3A_39, %add3A_57 : vector<16xi32>
      %gather3A_59 = tpu.vector_load_idx %arg6[%add3A_58] : memref<8192xf32, #tpu.memory_space<vmem>>[vector<16xi32>], vector<16xf32>,
      %add3A_60 = arith.constant 128 : i32
      %add3A_61 = arith.addi %add3A_24, %add3A_60 : i32
      %swap3A_62 = arith.index_cast %add3A_61 : i32 to index
      %swap3A_63 = tpu.vector_load %arg7[%swap3A_62] {strides = array<i32>} : memref<8192xf32, #tpu.memory_space<vmem>>, vector<16xf32>,
      tpu.vector_store %arg7[%swap3A_62], %gather3A_59 {strides = array<i32>} : memref<8192xf32, #tpu.memory_space<vmem>>, vector<16xf32>,
      %add3A_64 = arith.constant 256 : i32
      %add3A_65 = vector.broadcast %add3A_64 : i32 to vector<16xi32>
      %add3A_66 = arith.addi %add3A_49, %add3A_65 : vector<16xi32>
      %gather3A_67 = tpu.vector_load_idx %arg6[%add3A_66] : memref<8192xf32, #tpu.memory_space<vmem>>[vector<16xi32>], vector<16xf32>,
      %add3A_68 = arith.constant 256 : i32
      %add3A_69 = arith.addi %add3A_24, %add3A_68 : i32
      %swap3A_70 = arith.index_cast %add3A_69 : i32 to index
      %swap3A_71 = tpu.vector_load %arg7[%swap3A_70] {strides = array<i32>} : memref<8192xf32, #tpu.memory_space<vmem>>, vector<16xf32>,
      tpu.vector_store %arg7[%swap3A_70], %gather3A_67 {strides = array<i32>} : memref<8192xf32, #tpu.memory_space<vmem>>, vector<16xf32>,
      %add3A_72 = arith.constant 384 : i32
      %add3A_73 = vector.broadcast %add3A_72 : i32 to vector<16xi32>
      %add3A_74 = arith.addi %add3A_49, %add3A_73 : vector<16xi32>
      %gather3A_75 = tpu.vector_load_idx %arg6[%add3A_74] : memref<8192xf32, #tpu.memory_space<vmem>>[vector<16xi32>], vector<16xf32>,
      %add3A_76 = arith.constant 384 : i32
      %add3A_77 = arith.addi %add3A_24, %add3A_76 : i32
      %swap3A_78 = arith.index_cast %add3A_77 : i32 to index
      %swap3A_79 = tpu.vector_load %arg7[%swap3A_78] {strides = array<i32>} : memref<8192xf32, #tpu.memory_space<vmem>>, vector<16xf32>,
      tpu.vector_store %arg7[%swap3A_78], %gather3A_75 {strides = array<i32>} : memref<8192xf32, #tpu.memory_space<vmem>>, vector<16xf32>,
      %add3A_80 = arith.constant 512 : i32
      %add3A_81 = vector.broadcast %add3A_80 : i32 to vector<16xi32>
      %add3A_82 = arith.addi %add3A_49, %add3A_81 : vector<16xi32>
      %gather3A_83 = tpu.vector_load_idx %arg6[%add3A_82] : memref<8192xf32, #tpu.memory_space<vmem>>[vector<16xi32>], vector<16xf32>,
      %add3A_84 = arith.constant 512 : i32
      %add3A_85 = arith.addi %add3A_24, %add3A_84 : i32
      %swap3A_86 = arith.index_cast %add3A_85 : i32 to index
      %swap3A_87 = tpu.vector_load %arg7[%swap3A_86] {strides = array<i32>} : memref<8192xf32, #tpu.memory_space<vmem>>, vector<16xf32>,
      tpu.vector_store %arg7[%swap3A_86], %gather3A_83 {strides = array<i32>} : memref<8192xf32, #tpu.memory_space<vmem>>, vector<16xf32>,
      %add3A_88 = arith.constant 640 : i32
      %add3A_89 = vector.broadcast %add3A_88 : i32 to vector<16xi32>
      %add3A_90 = arith.addi %add3A_49, %add3A_89 : vector<16xi32>
      %gather3A_91 = tpu.vector_load_idx %arg6[%add3A_90] : memref<8192xf32, #tpu.memory_space<vmem>>[vector<16xi32>], vector<16xf32>,
      %add3A_92 = arith.constant 640 : i32
      %add3A_93 = arith.addi %add3A_24, %add3A_92 : i32
      %swap3A_94 = arith.index_cast %add3A_93 : i32 to index
      %swap3A_95 = tpu.vector_load %arg7[%swap3A_94] {strides = array<i32>} : memref<8192xf32, #tpu.memory_space<vmem>>, vector<16xf32>,
      tpu.vector_store %arg7[%swap3A_94], %gather3A_91 {strides = array<i32>} : memref<8192xf32, #tpu.memory_space<vmem>>, vector<16xf32>,
      %scan3A_96 = arith.constant 1 : i32
      %scan3A_97 = arith.addi %scan3A_11, %scan3A_96 : i32
      %mul3A_98 = arith.constant 1 : i32
      %mul3A_99 = arith.muli %scan3A_97, %mul3A_98 : i32
      %add3A_100 = arith.constant 0 : i32
      %add3A_101 = arith.addi %add3A_100, %mul3A_99 : i32
      %shift_right_arithmetic3A_102 = arith.constant 3 : i32
      %shift_right_arithmetic3A_103 = arith.shrsi %add3A_101, %shift_right_arithmetic3A_102 : i32
      %and3A_104 = arith.constant 7 : i32
      %and3A_105 = arith.andi %add3A_101, %and3A_104 : i32
      %shift_left3A_106 = arith.constant 4 : i32
      %shift_left3A_107 = arith.shli %and3A_105, %shift_left3A_106 : i32
      %mul3A_108 = arith.constant 256 : i32
      %mul3A_109 = arith.muli %shift_right_arithmetic3A_103, %mul3A_108 : i32
      %add3A_110 = arith.addi %mul3A_109, %shift_left3A_107 : i32
      %mul3A_111 = arith.constant 1024 : i32
      %mul3A_112 = arith.muli %shift_right_arithmetic3A_103, %mul3A_111 : i32
      %add3A_113 = arith.addi %mul3A_112, %shift_left3A_107 : i32
      %get3A_114 = arith.index_cast %add3A_110 : i32 to index
      %get3A_115 = tpu.vector_load %arg5[%get3A_114] {strides = array<i32>} : memref<2048xi32, #tpu.memory_space<vmem>>, vector<16xi32>,
      %add3A_116 = arith.constant 128 : i32
      %add3A_117 = arith.addi %add3A_110, %add3A_116 : i32
      %get3A_118 = arith.index_cast %add3A_117 : i32 to index
      %get3A_119 = tpu.vector_load %arg5[%get3A_118] {strides = array<i32>} : memref<2048xi32, #tpu.memory_space<vmem>>, vector<16xi32>,
      %shift_right_arithmetic3A_120 = arith.constant 7 : i32
      %shift_right_arithmetic3A_121 = vector.broadcast %shift_right_arithmetic3A_120 : i32 to vector<16xi32>
      %shift_right_arithmetic3A_122 = arith.shrsi %get3A_115, %shift_right_arithmetic3A_121 : vector<16xi32>
      %mul3A_123 = arith.constant 1024 : i32
      %mul3A_124 = vector.broadcast %mul3A_123 : i32 to vector<16xi32>
      %mul3A_125 = arith.muli %shift_right_arithmetic3A_122, %mul3A_124 : vector<16xi32>
      %and3A_126 = arith.constant 127 : i32
      %and3A_127 = vector.broadcast %and3A_126 : i32 to vector<16xi32>
      %and3A_128 = arith.andi %get3A_115, %and3A_127 : vector<16xi32>
      %add3A_129 = arith.addi %mul3A_125, %and3A_128 : vector<16xi32>
      %shift_right_arithmetic3A_130 = arith.constant 7 : i32
      %shift_right_arithmetic3A_131 = vector.broadcast %shift_right_arithmetic3A_130 : i32 to vector<16xi32>
      %shift_right_arithmetic3A_132 = arith.shrsi %get3A_119, %shift_right_arithmetic3A_131 : vector<16xi32>
      %mul3A_133 = arith.constant 1024 : i32
      %mul3A_134 = vector.broadcast %mul3A_133 : i32 to vector<16xi32>
      %mul3A_135 = arith.muli %shift_right_arithmetic3A_132, %mul3A_134 : vector<16xi32>
      %and3A_136 = arith.constant 127 : i32
      %and3A_137 = vector.broadcast %and3A_136 : i32 to vector<16xi32>
      %and3A_138 = arith.andi %get3A_119, %and3A_137 : vector<16xi32>
      %add3A_139 = arith.addi %mul3A_135, %and3A_138 : vector<16xi32>
      %add3A_140 = arith.constant 0 : i32
      %add3A_141 = vector.broadcast %add3A_140 : i32 to vector<16xi32>
      %add3A_142 = arith.addi %add3A_129, %add3A_141 : vector<16xi32>
      %gather3A_143 = tpu.vector_load_idx %arg6[%add3A_142] : memref<8192xf32, #tpu.memory_space<vmem>>[vector<16xi32>], vector<16xf32>,
      %add3A_144 = arith.constant 0 : i32
      %add3A_145 = arith.addi %add3A_113, %add3A_144 : i32
      %swap3A_146 = arith.index_cast %add3A_145 : i32 to index
      %swap3A_147 = tpu.vector_load %arg7[%swap3A_146] {strides = array<i32>} : memref<8192xf32, #tpu.memory_space<vmem>>, vector<16xf32>,
      tpu.vector_store %arg7[%swap3A_146], %gather3A_143 {strides = array<i32>} : memref<8192xf32, #tpu.memory_space<vmem>>, vector<16xf32>,
      %add3A_148 = arith.constant 128 : i32
      %add3A_149 = vector.broadcast %add3A_148 : i32 to vector<16xi32>
      %add3A_150 = arith.addi %add3A_129, %add3A_149 : vector<16xi32>
      %gather3A_151 = tpu.vector_load_idx %arg6[%add3A_150] : memref<8192xf32, #tpu.memory_space<vmem>>[vector<16xi32>], vector<16xf32>,
      %add3A_152 = arith.constant 128 : i32
      %add3A_153 = arith.addi %add3A_113, %add3A_152 : i32
      %swap3A_154 = arith.index_cast %add3A_153 : i32 to index
      %swap3A_155 = tpu.vector_load %arg7[%swap3A_154] {strides = array<i32>} : memref<8192xf32, #tpu.memory_space<vmem>>, vector<16xf32>,
      tpu.vector_store %arg7[%swap3A_154], %gather3A_151 {strides = array<i32>} : memref<8192xf32, #tpu.memory_space<vmem>>, vector<16xf32>,
      %add3A_156 = arith.constant 256 : i32
      %add3A_157 = vector.broadcast %add3A_156 : i32 to vector<16xi32>
      %add3A_158 = arith.addi %add3A_139, %add3A_157 : vector<16xi32>
      %gather3A_159 = tpu.vector_load_idx %arg6[%add3A_158] : memref<8192xf32, #tpu.memory_space<vmem>>[vector<16xi32>], vector<16xf32>,
      %add3A_160 = arith.constant 256 : i32
      %add3A_161 = arith.addi %add3A_113, %add3A_160 : i32
      %swap3A_162 = arith.index_cast %add3A_161 : i32 to index
      %swap3A_163 = tpu.vector_load %arg7[%swap3A_162] {strides = array<i32>} : memref<8192xf32, #tpu.memory_space<vmem>>, vector<16xf32>,
      tpu.vector_store %arg7[%swap3A_162], %gather3A_159 {strides = array<i32>} : memref<8192xf32, #tpu.memory_space<vmem>>, vector<16xf32>,
      %add3A_164 = arith.constant 384 : i32
      %add3A_165 = vector.broadcast %add3A_164 : i32 to vector<16xi32>
      %add3A_166 = arith.addi %add3A_139, %add3A_165 : vector<16xi32>
      %gather3A_167 = tpu.vector_load_idx %arg6[%add3A_166] : memref<8192xf32, #tpu.memory_space<vmem>>[vector<16xi32>], vector<16xf32>,
      %add3A_168 = arith.constant 384 : i32
      %add3A_169 = arith.addi %add3A_113, %add3A_168 : i32
      %swap3A_170 = arith.index_cast %add3A_169 : i32 to index
      %swap3A_171 = tpu.vector_load %arg7[%swap3A_170] {strides = array<i32>} : memref<8192xf32, #tpu.memory_space<vmem>>, vector<16xf32>,
      tpu.vector_store %arg7[%swap3A_170], %gather3A_167 {strides = array<i32>} : memref<8192xf32, #tpu.memory_space<vmem>>, vector<16xf32>,
      %add3A_172 = arith.constant 512 : i32
      %add3A_173 = vector.broadcast %add3A_172 : i32 to vector<16xi32>
      %add3A_174 = arith.addi %add3A_139, %add3A_173 : vector<16xi32>
      %gather3A_175 = tpu.vector_load_idx %arg6[%add3A_174] : memref<8192xf32, #tpu.memory_space<vmem>>[vector<16xi32>], vector<16xf32>,
      %add3A_176 = arith.constant 512 : i32
      %add3A_177 = arith.addi %add3A_113, %add3A_176 : i32
      %swap3A_178 = arith.index_cast %add3A_177 : i32 to index
      %swap3A_179 = tpu.vector_load %arg7[%swap3A_178] {strides = array<i32>} : memref<8192xf32, #tpu.memory_space<vmem>>, vector<16xf32>,
      tpu.vector_store %arg7[%swap3A_178], %gather3A_175 {strides = array<i32>} : memref<8192xf32, #tpu.memory_space<vmem>>, vector<16xf32>,
      %add3A_180 = arith.constant 640 : i32
      %add3A_181 = vector.broadcast %add3A_180 : i32 to vector<16xi32>
      %add3A_182 = arith.addi %add3A_139, %add3A_181 : vector<16xi32>
      %gather3A_183 = tpu.vector_load_idx %arg6[%add3A_182] : memref<8192xf32, #tpu.memory_space<vmem>>[vector<16xi32>], vector<16xf32>,
      %add3A_184 = arith.constant 640 : i32
      %add3A_185 = arith.addi %add3A_113, %add3A_184 : i32
      %swap3A_186 = arith.index_cast %add3A_185 : i32 to index
      %swap3A_187 = tpu.vector_load %arg7[%swap3A_186] {strides = array<i32>} : memref<8192xf32, #tpu.memory_space<vmem>>, vector<16xf32>,
      tpu.vector_store %arg7[%swap3A_186], %gather3A_183 {strides = array<i32>} : memref<8192xf32, #tpu.memory_space<vmem>>, vector<16xf32>,
    }
    %scan3A_8 = arith.constant 64 : i32
    %mul3A_9 = arith.constant 8192 : i32
    %mul3A_10 = arith.muli %add3A, %mul3A_9 : i32
    "tpu.region"() ({
      %run_scoped3A = tpu.sem_alloc : memref<!tpu.dma_semaphore, #tpu.memory_space<semaphore_mem>>
      %dma_start3A_11 = tpu.memref_slice %arg4[%mul3A_10] : memref<131072xf32, #tpu.memory_space<hbm>> -> memref<8192xf32, #tpu.memory_space<hbm>>
      %dma_start3A_12 = tpu.memref_slice %arg4[%mul3A_10] : memref<131072xf32, #tpu.memory_space<hbm>> -> memref<8192xf32, #tpu.memory_space<hbm>>
      tpu.enqueue_dma source(%arg7 : memref<8192xf32, #tpu.memory_space<vmem>>) target(%dma_start3A_12 : memref<8192xf32, #tpu.memory_space<hbm>>) target_semaphore(%run_scoped3A : memref<!tpu.dma_semaphore, #tpu.memory_space<semaphore_mem>>)
      %dma_wait3A_13 = tpu.memref_slice %arg4[%mul3A_10] : memref<131072xf32, #tpu.memory_space<hbm>> -> memref<8192xf32, #tpu.memory_space<hbm>>
      %dma_wait3A_14 = tpu.memref_slice %arg4[%mul3A_10] : memref<131072xf32, #tpu.memory_space<hbm>> -> memref<8192xf32, #tpu.memory_space<hbm>>
      tpu.wait_dma2 semaphore(%run_scoped3A : memref<!tpu.dma_semaphore, #tpu.memory_space<semaphore_mem>>) src(%arg7 : memref<8192xf32, #tpu.memory_space<vmem>>) dst(%dma_wait3A_14 : memref<8192xf32, #tpu.memory_space<hbm>>)
      tpu.yield
    }) : () -> ()
    return
  }
}

</mosaic_0001>

<sc_bundles>
// kernel: kernel.3.cloned.1.call-start
scs
__scs_entry_jumppad:
0x0: {  	(pc) =	sbr.rel $0x88, $3  }
0x1: {  	(tag) =	ssettag $0x0;
	lr =	simm.s32 $0x1  }
0x2: {  	[smem:$0x3F9E] =	sst lr;
	_ =	strace $0xD0000000  }
0x3: {  	_ = 	snop  }
0x4: {  	_ = 	snop  }
0x5: {  	_ = 	snop  }
0x6: {  	_ = 	snop  }
0x7: {  	_ = 	snop  }
__scs_overlays_trampoline_lowered:
0x8: {  	[smem:$0x3FAD] =	sst s0  }
0x9: {  	[smem:$0x3FAE] =	sst s1  }
0xa: {  	[smem:$0x3FAF] =	sst s2  }
0xb: {  	[smem:$0x3FB0] =	sst s3  }
0xc: {  	[smem:$0x3FB1] =	sst s4  }
0xd: {  	[smem:$0x3FB2] =	sst s5  }
0xe: {  	[smem:$0x3FB3] =	sst s6  }
0xf: {  	[smem:$0x3FB4] =	sst s7  }
0x10: {  	[smem:$0x3FB5] =	sst s8  }
0x11: {  	[smem:$0x3FB6] =	sst s9;
	s0 =	simm.s32 @!p0 $0x0  }
0x12: {  	s1 =	sld [smem:$0x3F9C];
	s0 =	simm.s32 @p0 $0x1  }
0x13: {  	[smem:$0x3FB7] =	sst s0;
	s0 =	simm.s32 @!p1 $0x0  }
0x14: {  	s2 =	sld [smem:$0x3F9B];
	s0 =	simm.s32 @p1 $0x1  }
0x15: {  	[smem:$0x3FB8] =	sst s0;
	s0 =	simm.s32 @!p2 $0x0  }
0x16: {  	s3 =	sld [smem:$0x3FDB];
	s0 =	simm.s32 @p2 $0x1  }
0x17: {  	s4 =	simm.s32 $0x1BF5;
	[smem:$0x3FBA] =	sst s0  }
0x18: {  	s0 =	sld [smem:$0x3F9D];
	_ =	swait.ge [sflag:s4], $0x0  }
0x19: {  	s7 =	sld [smem:$0x3F9E]  }
0x1a: {  	s8 =	sadd.s32 $0xFFFFE003, lr  }
0x1b: {  	s9 =	sadd.s32 $0xFFFFFEF7, lr;
	s5 =	simm.s32 $0xFFFFFFFF;
	p2 =	slt.u32 s8, $0xFFFFF086  }
0x1c: {  	p1 =	slt.u32 s9, $0xF7A;
	s5 =	simm.s32 @!p2 $0x0  }
0x1d: {  	s5 =	simm.s32 @p1 $0x1;
	p0 =	seq.s32 s7, s2  }
0x1e: {  	s7 =	smul.u32 @!p0 $0xF7A, s2;
	p2 =	seq.s32 @!p0 s5, $0x0  }
0x1f: {  	s9 =	smul.u32 $0xF7A, s1;
	s8 =	simm.s32 @!p0 $0x1BF5;
	p2 =	por !p2, p0  }
0x20: {  	[sflag:s8] =	ssyncset.s32 @!p0 $0xFFFFF086;
	s6 =	sadd.s32 @!p0 s3, s7;
	s7 =	simm.s32 @!p0 $0x108  }
0x21: {  	s3 =	sadd.s32 s3, s9;
	s6 =	sadd.s32 @!p0 $0x88, s6;
	s7 =	simm.s32 @p2 $0x1082  }
0x22: {  	[simem:s7], [sflag:s8] =	dma.local @!p0 [hbm:s6], $0xF7A  }
0x23: {  	s9 =	sor.u32 $0xD0000000, s2;
	s6 =	simm.s32 $0x108;
	_ =	swait.ge @!p0 [sflag:s8], $0x0  }
0x24: {  	s3 =	sadd.s32 $0x88, s3;
	s6 =	simm.s32 @!p1 $0x1082;
	[sflag:s4] =	ssyncset.s32 $0xFFFFF086  }
0x25: {  	[simem:s6], [sflag:s4] =	dma.local [hbm:s3], $0xF7A  }
0x26: {  	[smem:$0x3F9E] =	sst s1;
	(tag) =	ssettag s2;
	_ =	strace s9  }
0x27: {  	s1 =	sld [smem:$0x3FAE]  }
0x28: {  	s2 =	sld [smem:$0x3FAF]  }
0x29: {  	s4 =	sld [smem:$0x3FB1]  }
0x2a: {  	p0 =	seq.s32 s5, $0x0;
	s5 =	sld [smem:$0x3FB2]  }
0x2b: {  	s6 =	sld [smem:$0x3FB3]  }
0x2c: {  	s7 =	sld [smem:$0x3FB4]  }
0x2d: {  	s3 =	simm.s32 $0x108;
	s8 =	sld [smem:$0x3FB5]  }
0x2e: {  	s3 =	simm.s32 @!p0 $0x1082;
	s9 =	sld [smem:$0x3FB6]  }
0x2f: {  	lr =	sadd.s32 s0, s3;
	s0 =	sld [smem:$0x3FAD]  }
0x30: {  	s3 =	sld [smem:$0x3FB0]  }
0x31: {  	[smem:$0x3FB9] =	sst s10  }
0x32: {  	s10 =	sld [smem:$0x3FB7];
	_ =	sdelay $0x3  }
0x33: {  	p0 =	seq.s32 s10, $0x1;
	s10 =	sld [smem:$0x3FB9];
	_ =	sdelay $0x3  }
0x34: {  	[smem:$0x3FB9] =	sst s10  }
0x35: {  	s10 =	sld [smem:$0x3FB8];
	_ =	sdelay $0x3  }
0x36: {  	p1 =	seq.s32 s10, $0x1;
	s10 =	sld [smem:$0x3FB9];
	_ =	sdelay $0x3  }
0x37: {  	[smem:$0x3FB9] =	sst s10  }
0x38: {  	s10 =	sld [smem:$0x3FBA]  }
0x39: {  	_ = 	snop;
	(pc) =	sbr.ind lr, $3  }
0x3a: {  	_ = 	snop  }
0x3b: {  	_ = 	snop  }
0x3c: {  	p2 =	seq.s32 s10, $0x1;
	s10 =	sld [smem:$0x3FB9]  }
0x3d: {  	_ =	shalt  }
0x3e: {  	_ =	shalt  }
0x3f: {  	_ =	shalt  }
0x40: {  	_ =	shalt  }
0x41: {  	_ =	shalt  }
0x42: {  	_ =	shalt  }
0x43: {  	_ =	shalt  }
0x44: {  	_ =	shalt  }
0x45: {  	_ =	shalt  }
0x46: {  	_ =	shalt  }
0x47: {  	_ =	shalt  }
0x48: {  	_ =	shalt  }
0x49: {  	_ =	shalt  }
0x4a: {  	_ =	shalt  }
0x4b: {  	_ =	shalt  }
0x4c: {  	_ =	shalt  }
0x4d: {  	_ =	shalt  }
0x4e: {  	_ =	shalt  }
0x4f: {  	_ =	shalt  }
0x50: {  	_ =	shalt  }
0x51: {  	_ =	shalt  }
0x52: {  	_ =	shalt  }
0x53: {  	_ =	shalt  }
0x54: {  	_ =	shalt  }
0x55: {  	_ =	shalt  }
0x56: {  	_ =	shalt  }
0x57: {  	_ =	shalt  }
0x58: {  	_ =	shalt  }
0x59: {  	_ =	shalt  }
0x5a: {  	_ =	shalt  }
0x5b: {  	_ =	shalt  }
0x5c: {  	_ =	shalt  }
0x5d: {  	_ =	shalt  }
0x5e: {  	_ =	shalt  }
0x5f: {  	_ =	shalt  }
0x60: {  	_ =	shalt  }
0x61: {  	_ =	shalt  }
0x62: {  	_ =	shalt  }
0x63: {  	_ =	shalt  }
0x64: {  	_ =	shalt  }
0x65: {  	_ =	shalt  }
0x66: {  	_ =	shalt  }
0x67: {  	_ =	shalt  }
0x68: {  	_ =	shalt  }
0x69: {  	_ =	shalt  }
0x6a: {  	_ =	shalt  }
0x6b: {  	_ =	shalt  }
0x6c: {  	_ =	shalt  }
0x6d: {  	_ =	shalt  }
0x6e: {  	_ =	shalt  }
0x6f: {  	_ =	shalt  }
0x70: {  	_ =	shalt  }
0x71: {  	_ =	shalt  }
0x72: {  	_ =	shalt  }
0x73: {  	_ =	shalt  }
0x74: {  	_ =	shalt  }
0x75: {  	_ =	shalt  }
0x76: {  	_ =	shalt  }
0x77: {  	_ =	shalt  }
0x78: {  	_ =	shalt  }
0x79: {  	_ =	shalt  }
0x7a: {  	_ =	shalt  }
0x7b: {  	_ =	shalt  }
0x7c: {  	_ =	shalt  }
0x7d: {  	_ =	shalt  }
0x7e: {  	_ =	shalt  }
0x7f: {  	_ =	shalt  }
0x80: {  	_ =	shalt  }
0x81: {  	_ =	shalt  }
0x82: {  	_ =	shalt  }
0x83: {  	_ =	shalt  }
0x84: {  	_ =	shalt  }
0x85: {  	_ =	shalt  }
0x86: {  	_ =	shalt  }
0x87: {  	_ =	shalt  }
.Lfunc_end0:
.L_simem_size_0:
called_computation_lowered:
.L_overlay_start_0:
0x88: {  	s0 =	sld [smem:$0x3FD9]  }
0x89: {  	s1 =	sld [smem:$0x3FFE];
	_ =	sdelay $0x3  }
0x8a: {  	s0 =	sadd.s32 s1, s0  }
0x8b: {  	[smem:$0x3FC5] =	sst s0  }
0x8c: {  	_ = 	snop  }
0x8d: {  	s0 =	sld [smem:$0x3FC9]  }
0x8e: {  	s16 =	sld [smem:$0x3FD0];
	(tm) =	ssettm $0x1  }
0x8f: {  	s2 =	sld [smem:$0x3FFB];
	_ =	sdelay $0x3  }
0x90: {  	_ =	strace s2  }
0x91: {  	s2 =	sld [smem:$0x3FFC];
	_ =	sdelay $0x3  }
0x92: {  	_ =	strace s2  }
0x93: {  	s2 =	sld [smem:$0x3FFD];
	_ =	sdelay $0x3  }
0x94: {  	_ =	strace s2  }
0x95: {  	_ =	strace $0x8FFFFFFF  }
0x96: {  	s17 =	sld [smem:$0x3FDB];
	_ =	sdelay $0x1  }
0x97: {  	s3 =	simm.s32 $_scs_section_size  }
0x98: {  	s4 =	simm.s32 $_size__tile_overlayer_lowered;
	s5 =	simm.s32 $_tile_overlayer_lowered  }
0x99: {  	s20 =	simm.s32 $0x1BFF;
	s19 =	sshll.u32 s5, $0x1;
	s2 =	sadd.s32 s3, s17  }
0x9a: {  	s6 =	simm.s32 $0x0;
	s18 =	sshll.u32 s4, $0x1;
	s4 =	sadd.s32 s19, s2  }
0x9b: {  	[timem:s6], [sflag:s20] =	dma.local [hbm:s4], s18  }
0x9c: {  	_ =	swait.ge [sflag:s20], s18  }
0x9d: {  	s3 =	ssub.s32 $0x0, s18;
	[sflag:s20] =	ssyncset.done $0x0  }
0x9e: {  	[sflag:s20] =	ssyncadd.s32 s3;
	_ =	sdelay $0x1  }
0x9f: {  	s21 =	simm.s32 $0x1B8B  }
0xa0: {  	_ =	swait.ge [sflag:s21], $0x1  }
0xa1: {  	[sflag:s21] =	ssyncset.done $0x0  }
0xa2: {  	s23 =	simm.s32 $0x1B8E;
	s22 =	sld [smem:$0x3FFE];
	[sflag:s21] =	ssyncadd.s32 $0xFFFFFFFF  }
0xa3: {  	s24 =	simm.s32 $execute0_lowered;
	[smem:$0x3FD2] =	sst s23  }
0xa4: {  	s4 =	sshll.u32 s24, $0x1;
	_ =	strace $0x80000046;
	[dreg:$0x1] =	wrdreg $0xFFFFFFFF  }
0xa5: {  	s25 =	simm.s32 $_size_execute0_lowered;
	s2 =	sadd.s32 s2, s4;
	[dreg:$0x0] =	wrdreg $0x0  }
0xa6: {  	s4 =	sshll.u32 s25, $0x1;
	[dreg:$0x2] =	wrdreg s2  }
0xa7: {  	[dreg:$0x3] =	wrdreg s4  }
0xa8: {  	[dreg:$0x4] =	wrdreg $0xC0  }
0xa9: {  	_ =	task [dreg:s6], $0x5FFFF  }
0xaa: {  	[dreg:$0x1] =	wrdreg $0xFFFFFFFF  }
0xab: {  	[dreg:$0x0] =	wrdreg $0x60  }
0xac: {  	[dreg:$0x2] =	wrdreg s0  }
0xad: {  	[dreg:$0x3] =	wrdreg s22  }
0xae: {  	[dreg:$0x4] =	wrdreg s16  }
0xaf: {  	[dreg:$0x5] =	wrdreg $0x9  }
0xb0: {  	_ =	task.clear_ibuf [dreg:s6], $0x6FFFF;
	_ =	strace $0x90000046  }
0xb1: {  	s26 =	simm.s32 $0x9;
	_ =	strace $0x80000048  }
0xb2: {  	_ =	swait.ge [sflag:s26], $0x1  }
0xb3: {  	[sflag:s26] =	ssyncadd.s32 $0xFFFFFFFF  }
0xb4: {  	_ =	strace $0x90000048  }
0xb5: {  	_ =	sfence  }
0xb6: {  	s28 =	sld [smem:$0x0];
	_ =	sdelay $0x1  }
0xb7: {  	s29 =	srdreg.scid  }
0xb8: {  	s30 =	sshll.u32 s29, $0xD;
	s31 =	sshrl.u32 s29, $0x2  }
0xb9: {  	s1 =	sand.u32 $0x1, s29;
	s2 =	sand.u32 $0x4000, s30;
	s0 =	sadd.s32 s31, s28  }
0xba: {  	s1 =	sor.u32 s2, s1;
	s0 =	sshll.u32 s0, $0x11  }
0xbb: {  	s0 =	sor.u32 s0, s1  }
0xbc: {  	s0 =	sadd.s32 $0x8F2B, s0  }
0xbd: {  	[sflag:s0] =	ssyncadd.remote.s32 $0x1  }
0xbe: {  	_ =	sfence.sel $0xFFFF  }
0xbf: {  	[dreg:$0x0] =	wrdreg $0xFFFFFFFF;
	(pc) =	sbr.abs _section_cstart, $3  }
0xc0: {  	[dreg:$0x1] =	wrdreg $0xFFFFFFFF  }
0xc1: {  	_ =	task.clear_ibuf [dreg:s6], $0x2FFFF;
	_ =	strace $0x9FFFFFFF  }
0xc2: {  	(tm) =	ssettm $0x7FFFFFFF  }
0xc3: {  	_ =	shalt  }
tec
execute0_lowered:
.L_overlay_start_1:
0x0: {  	(tag) =	ssettag $0x1  }
0x1: {  	s4 =	rddreg [dreg:$0x0]  }
0x2: {  	s5 =	rddreg [dreg:$0x1]  }
0x3: {  	s2 =	rddreg [dreg:$0x2];
	s3 =	simm.s32 $0x0;
	s1 =	stileid.u32  }
0x4: {  	[smem:$0x7FF] =	sst s3;
	s6 =	sshll.u32 s1, $0x8  }
0x5: {  	s0 =	rddreg [dreg:$0x3];
	_ =	strace $0x80000047;
	s4 =	sadd.s32 s4, s6  }
0x6: {  	[tilespmem:s3], [sflag:$0x1] =	stream.linear.gather [hbm4b:s4+s3], $0x800, $0x38;
	[tilespmem:$0x4800] =	vst v63  }
0x7: {  	s28 =	simm.s32 $0x1;
	s5 =	sadd.s32 $0x400, s5;
	s4 =	simm.s32 $0x800  }
0x8: {  	[tilespmem:s4], [sflag:$0x1] =	stream.linear.gather [hbm4b:s5+s3], $0x2000, $0x38;
	[tilespmem:$0x4800] =	vst v63  }
0x9: {  	_ =	swait.ge [sflag:s28], $0x800  }
0xa: {  	[sflag:s28] =	ssyncset.done $0x0  }
0xb: {  	[sflag:s28] =	ssyncadd.s32 $0xFFFFF800  }
0xc: {  	s29 =	simm.s32 $0x0;
	_ =	swait.ge [sflag:s28], $0x2000  }
0xd: {  	s7 =	sand.u32 $0x60, s3;
	s6 =	sand.u32 $0xFFFFFF00, s29;
	[sflag:s28] =	ssyncset.done $0x0  }
0xe: {  	s30 =	sor.u32 s7, s6;
	[sflag:s28] =	ssyncadd.s32 $0xFFFFE000  }
0xf: {  	v0 =	vld [tilespmem:s30+$0x0];
	_ =	sdelay $0x4  }
0x10: {  	v1 =	vshll.u32 v0, $0x3  }
0x11: {  	v0 =	vand.u32 $0x7F, v0;
	v1 =	vand.u32 $0xFFFFFC00, v1  }
0x12: {  	v0 =	vor.u32 v0, v1;
	_ =	sdelay $0x3  }
0x13: {  	v1 =	vld [tilespmem:s30+$0x80]  }
0x14: {  	v2 =	vld.idx.msk [tilespmem:v0+s4+$0x0], $0xffff  }
0x15: {  	s31 =	simm.s32 $0x0;
	v0 =	vor.u32 $0x80, v0  }
0x16: {  	s5 =	sand.u32 $0x3FFFFC00, s31  }
0x17: {  	s5 =	sadd.s32 $0x2800, s5  }
0x18: {  	s8 =	sor.u32 s7, s5;
	v3 =	vshll.u32 v1, $0x3  }
0x19: {  	v1 =	vand.u32 $0x7F, v1;
	[tilespmem:s8+$0x0] =	vst v2;
	v2 =	vand.u32 $0xFFFFFC00, v3  }
0x1a: {  	v0 =	vld.idx.msk [tilespmem:v0+s4+$0x0], $0xffff;
	v1 =	vor.u32 v1, v2  }
0x1b: {  	v2 =	vor.u32 $0x100, v1;
	_ =	sdelay $0x3  }
0x1c: {  	[tilespmem:s8+$0x80] =	vst v0  }
0x1d: {  	v0 =	vld.idx.msk [tilespmem:v2+s4+$0x0], $0xffff  }
0x1e: {  	v2 =	vor.u32 $0x180, v1;
	_ =	sdelay $0x3  }
0x1f: {  	[tilespmem:s8+$0x100] =	vst v0  }
0x20: {  	v0 =	vld.idx.msk [tilespmem:v2+s4+$0x0], $0xffff  }
0x21: {  	v2 =	vor.u32 $0x200, v1;
	_ =	sdelay $0x3  }
0x22: {  	[tilespmem:s8+$0x180] =	vst v0  }
0x23: {  	v0 =	vld.idx.msk [tilespmem:v2+s4+$0x0], $0xffff  }
0x24: {  	v1 =	vor.u32 $0x280, v1;
	_ =	sdelay $0x3  }
0x25: {  	[tilespmem:s8+$0x200] =	vst v0  }
0x26: {  	v0 =	vld.idx.msk [tilespmem:v1+s4+$0x0], $0xffff;
	_ =	sdelay $0x3  }
0x27: {  	s7 =	sor.u32 $0x10, s7  }
0x28: {  	s6 =	sor.u32 s7, s6;
	[tilespmem:s8+$0x280] =	vst v0  }
0x29: {  	v0 =	vld [tilespmem:s6+$0x0];
	_ =	sdelay $0x4  }
0x2a: {  	v1 =	vshll.u32 v0, $0x3  }
0x2b: {  	v0 =	vand.u32 $0x7F, v0;
	v1 =	vand.u32 $0xFFFFFC00, v1  }
0x2c: {  	v0 =	vor.u32 v0, v1;
	_ =	sdelay $0x3  }
0x2d: {  	v1 =	vld [tilespmem:s6+$0x80]  }
0x2e: {  	v2 =	vld.idx.msk [tilespmem:v0+s4+$0x0], $0xffff  }
0x2f: {  	v0 =	vor.u32 $0x80, v0;
	_ =	sdelay $0x2  }
0x30: {  	s8 =	sor.u32 s7, s5;
	v3 =	vshll.u32 v1, $0x3  }
0x31: {  	v1 =	vand.u32 $0x7F, v1;
	[tilespmem:s8+$0x0] =	vst v2;
	v2 =	vand.u32 $0xFFFFFC00, v3  }
0x32: {  	v0 =	vld.idx.msk [tilespmem:v0+s4+$0x0], $0xffff;
	v1 =	vor.u32 v1, v2  }
0x33: {  	v2 =	vor.u32 $0x100, v1;
	_ =	sdelay $0x3  }
0x34: {  	[tilespmem:s8+$0x80] =	vst v0  }
0x35: {  	v0 =	vld.idx.msk [tilespmem:v2+s4+$0x0], $0xffff  }
0x36: {  	v2 =	vor.u32 $0x180, v1;
	_ =	sdelay $0x3  }
0x37: {  	[tilespmem:s8+$0x100] =	vst v0  }
0x38: {  	v0 =	vld.idx.msk [tilespmem:v2+s4+$0x0], $0xffff  }
0x39: {  	v2 =	vor.u32 $0x200, v1;
	_ =	sdelay $0x3  }
0x3a: {  	[tilespmem:s8+$0x180] =	vst v0  }
0x3b: {  	v0 =	vld.idx.msk [tilespmem:v2+s4+$0x0], $0xffff  }
0x3c: {  	v1 =	vor.u32 $0x280, v1;
	_ =	sdelay $0x3  }
0x3d: {  	[tilespmem:s8+$0x200] =	vst v0  }
0x3e: {  	s5 =	simm.s32 $0x0;
	v0 =	vld.idx.msk [tilespmem:v1+s4+$0x0], $0xffff  }
.LBB2_1:
0x3f: {  	s5 =	sadd.s32 $0x2, s5  }
0x40: {  	s6 =	sshll.u32 s5, $0x7;
	p0 =	slt.u32 s5, $0x3E  }
0x41: {  	s3 =	sadd.s32 $0x20, s3;
	s7 =	sshra.s32 s6, $0x2;
	s6 =	sand.u32 $0x3FFFFC00, s6  }
0x42: {  	s10 =	sand.u32 $0x60, s3;
	s9 =	sand.u32 $0xFFFFFF00, s7;
	s6 =	sadd.s32 $0x2800, s6  }
0x43: {  	s7 =	sor.u32 $0x10, s10;
	s11 =	sor.u32 s10, s9;
	[tilespmem:s8+$0x280] =	vst v0  }
0x44: {  	v0 =	vld [tilespmem:s11+$0x0];
	_ =	sdelay $0x4  }
0x45: {  	v1 =	vshll.u32 v0, $0x3  }
0x46: {  	v0 =	vand.u32 $0x7F, v0;
	v1 =	vand.u32 $0xFFFFFC00, v1  }
0x47: {  	v0 =	vor.u32 v0, v1;
	_ =	sdelay $0x4  }
0x48: {  	v1 =	vld.idx.msk [tilespmem:v0+s4+$0x0], $0xffff  }
0x49: {  	v2 =	vld [tilespmem:s11+$0x80]  }
0x4a: {  	v0 =	vor.u32 $0x80, v0;
	_ =	sdelay $0x2  }
0x4b: {  	s8 =	sor.u32 s10, s6  }
0x4c: {  	v3 =	vshll.u32 v2, $0x3;
	[tilespmem:s8+$0x0] =	vst v1  }
0x4d: {  	v2 =	vand.u32 $0x7F, v2;
	v1 =	vand.u32 $0xFFFFFC00, v3;
	v0 =	vld.idx.msk [tilespmem:v0+s4+$0x0], $0xffff  }
0x4e: {  	v1 =	vor.u32 v2, v1  }
0x4f: {  	v2 =	vor.u32 $0x100, v1;
	_ =	sdelay $0x3  }
0x50: {  	[tilespmem:s8+$0x80] =	vst v0  }
0x51: {  	v0 =	vld.idx.msk [tilespmem:v2+s4+$0x0], $0xffff;
	_ =	sdelay $0x1  }
0x52: {  	v2 =	vor.u32 $0x180, v1;
	_ =	sdelay $0x3  }
0x53: {  	[tilespmem:s8+$0x100] =	vst v0  }
0x54: {  	v0 =	vld.idx.msk [tilespmem:v2+s4+$0x0], $0xffff;
	_ =	sdelay $0x1  }
0x55: {  	v2 =	vor.u32 $0x200, v1;
	_ =	sdelay $0x3  }
0x56: {  	[tilespmem:s8+$0x180] =	vst v0  }
0x57: {  	v0 =	vld.idx.msk [tilespmem:v2+s4+$0x0], $0xffff;
	_ =	sdelay $0x1  }
0x58: {  	v1 =	vor.u32 $0x280, v1;
	_ =	sdelay $0x3  }
0x59: {  	[tilespmem:s8+$0x200] =	vst v0  }
0x5a: {  	v0 =	vld.idx.msk [tilespmem:v1+s4+$0x0], $0xffff;
	_ =	sdelay $0x5  }
0x5b: {  	[tilespmem:s8+$0x280] =	vst v0;
	s8 =	sor.u32 s7, s9  }
0x5c: {  	v0 =	vld [tilespmem:s8+$0x0];
	_ =	sdelay $0x4  }
0x5d: {  	v1 =	vshll.u32 v0, $0x3  }
0x5e: {  	v0 =	vand.u32 $0x7F, v0;
	v1 =	vand.u32 $0xFFFFFC00, v1  }
0x5f: {  	v0 =	vor.u32 v0, v1;
	_ =	sdelay $0x4  }
0x60: {  	v1 =	vld.idx.msk [tilespmem:v0+s4+$0x0], $0xffff  }
0x61: {  	v2 =	vld [tilespmem:s8+$0x80]  }
0x62: {  	v0 =	vor.u32 $0x80, v0;
	_ =	sdelay $0x2  }
0x63: {  	s8 =	sor.u32 s7, s6  }
0x64: {  	v3 =	vshll.u32 v2, $0x3;
	[tilespmem:s8+$0x0] =	vst v1  }
0x65: {  	v2 =	vand.u32 $0x7F, v2;
	v1 =	vand.u32 $0xFFFFFC00, v3;
	v0 =	vld.idx.msk [tilespmem:v0+s4+$0x0], $0xffff  }
0x66: {  	v1 =	vor.u32 v2, v1  }
0x67: {  	v2 =	vor.u32 $0x100, v1;
	_ =	sdelay $0x3  }
0x68: {  	[tilespmem:s8+$0x80] =	vst v0  }
0x69: {  	v0 =	vld.idx.msk [tilespmem:v2+s4+$0x0], $0xffff;
	_ =	sdelay $0x1  }
0x6a: {  	v2 =	vor.u32 $0x180, v1;
	_ =	sdelay $0x3  }
0x6b: {  	[tilespmem:s8+$0x100] =	vst v0  }
0x6c: {  	v0 =	vld.idx.msk [tilespmem:v2+s4+$0x0], $0xffff;
	_ =	sdelay $0x1  }
0x6d: {  	v2 =	vor.u32 $0x200, v1;
	_ =	sdelay $0x3  }
0x6e: {  	[tilespmem:s8+$0x180] =	vst v0  }
0x6f: {  	v0 =	vld.idx.msk [tilespmem:v2+s4+$0x0], $0xffff;
	_ =	sdelay $0x1  }
0x70: {  	v1 =	vor.u32 $0x280, v1  }
.Ltmp0:
0x71: {  	(pc) =	sbr.rel @p0 .LBB2_1-.Ltmp0, $3  }
0x72: {  	_ =	sdelay $0x1  }
0x73: {  	[tilespmem:s8+$0x200] =	vst v0  }
0x74: {  	v0 =	vld.idx.msk [tilespmem:v1+s4+$0x0], $0xffff  }
0x75: {  	_ =	sdelay $0x2  }
0x76: {  	s3 =	sshll.u32 s1, $0xA;
	s30 =	simm.s32 $0x0  }
0x77: {  	s4 =	simm.s32 $0x2800;
	s31 =	simm.s32 $0x2;
	s2 =	sadd.s32 s2, s3;
	[tilespmem:s8+$0x280] =	vst v0  }
0x78: {  	[hbm4b:s2+s30] =	stream.linear.scatter [tilespmem:s4], [sflag:$0x2], $0x2000, $0x38;
	[tilespmem:$0x4800] =	vst v63  }
0x79: {  	_ =	swait.ge [sflag:s31], $0x2000  }
0x7a: {  	[sflag:s31] =	ssyncset.done $0x0  }
0x7b: {  	[sflag:s31] =	ssyncadd.s32 $0xFFFFE000  }
0x7c: {  	_ =	sfence.sel $0x180000  }
0x7d: {  	[bflag:$0x0] =	sbarrier.arrive $0xFFFF  }
0x7e: {  	p0 =	sne.s32 s1, $0x0;
	_ =	strace $0x90000047  }
0x7f: {  	s0 =	sadd.s32 @!p0 $0x100000, s0;
	[bflag:$0x2] =	sbarrier.arrive $0xFFFF  }
0x80: {  	[sflag:s0] =	ssyncadd.tile.s32 @!p0 $0x1;
	_ =	shalt  }
.Lfunc_end2:
_tile_overlayer_lowered:
.L_overlay_start_2:
0x81: {  	(tag) =	ssettag $0x2  }
0x82: {  	s0 =	rddreg [dreg:$0x0];
	s2 =	stileid.u32  }
0x83: {  	s1 =	rddreg [dreg:$0x1];
	p0 =	sne.s32 s2, $0x0  }
0x84: {  	s3 =	rddreg [dreg:$0x2];
	[bflag:$0x3] =	sbarrier.arrive $0xFFFF;
	s2 =	simm.s32 @!p0 $0x1C02  }
0x85: {  	[timem:s3], [sflag:s2] =	dma.local @!p0 [hbm:s0], s1  }
0x86: {  	s0 =	simm.s32 @!p0 $0x2  }
0x87: {  	_ =	swait.ge @!p0 [sflag:s0], s1  }
0x88: {  	s1 =	ssub.s32 @!p0 $0x0, s1;
	[sflag:s0] =	ssyncset.done @!p0 $0x0  }
0x89: {  	[sflag:s0] =	ssyncadd.s32 @!p0 s1  }
0x8a: {  	[bflag:$0x3] =	sbarrier.arrive $0xFFFF  }
0x8b: {  	_ =	shalt  }

</sc_bundles>
